<compile_context>
chip_gen: v7x
topology: tpu7x:2x2x1
jax: 0.10.2.dev20260603
libtpu: 0.0.44.dev20260713+nightly
codegen_flags: <defaults>
</compile_context>

<pallas_src>
import functools

import jax
import jax.numpy as jnp
from jax import lax
from jax.experimental import pallas as pl
from jax.experimental.pallas import tpu as pltpu
from jax.experimental.pallas import tpu_sc as plsc

_N = 10000
_E = 320000
_D = 128

_NC = 2
_NS = 16
_NW = _NC * _NS
_CH = 128
_NCH = 80
_HCH = 40
_E_PAD = _NW * _NCH * _CH
_N_PAD = 10240
_RPW = _N_PAD // _NS
_DEG_R = 80

_f32 = jnp.float32


def _sc_mesh():
    return plsc.VectorSubcoreMesh(core_axis_name="c", subcore_axis_name="s")


def _deg_body(src_hbm, dst_hbm, out_hbm, idx_s, idx_d, w_buf, zbuf,
              dego_sh, degi_sh):
    c = lax.axis_index("c")
    s = lax.axis_index("s")
    wid = c * _NS + s
    zero16 = jnp.zeros((16,), _f32)
    for k in range(8):
        zbuf[pl.ds(k * 16, 16)] = zero16

    @pl.when(s == 0)
    def _():
        def zcp(i, _):
            pltpu.sync_copy(zbuf, dego_sh.at[pl.ds(i * _CH, _CH)])
            pltpu.sync_copy(zbuf, degi_sh.at[pl.ds(i * _CH, _CH)])
            return 0

        lax.fori_loop(0, _DEG_R, zcp, 0)

    pltpu.sync_copy(src_hbm.at[wid], idx_s)
    pltpu.sync_copy(dst_hbm.at[wid], idx_d)
    plsc.subcore_barrier()

    def edge_chunk(j, _):
        for k in range(8):
            sv = idx_s[j, pl.ds(k * 16, 16)]
            dv = idx_d[j, pl.ds(k * 16, 16)]
            w_buf[pl.ds(k * 16, 16)] = jnp.where(sv == dv, 0.0, 1.0).astype(_f32)
        pltpu.sync_copy(w_buf, dego_sh.at[idx_s.at[j]], add=True)
        pltpu.sync_copy(w_buf, degi_sh.at[idx_d.at[j]], add=True)
        return 0

    lax.fori_loop(0, _NCH, edge_chunk, 0)
    plsc.subcore_barrier()

    @pl.when(s == 0)
    def _():
        pltpu.sync_copy(dego_sh, out_hbm.at[c, 0])

    @pl.when(s == 1)
    def _():
        pltpu.sync_copy(degi_sh, out_hbm.at[c, 1])


@jax.jit
def _deg_pass(src_d, dst_d):
    return pl.kernel(
        _deg_body,
        out_type=jax.ShapeDtypeStruct((_NC, 2, _DEG_R * _CH), _f32),
        mesh=_sc_mesh(),
        scratch_types=[
            pltpu.VMEM((_NCH, _CH), jnp.int32),
            pltpu.VMEM((_NCH, _CH), jnp.int32),
            pltpu.VMEM((_CH,), _f32),
            pltpu.VMEM((_CH,), _f32),
            pltpu.VMEM_SHARED((_DEG_R * _CH,), _f32),
            pltpu.VMEM_SHARED((_DEG_R * _CH,), _f32),
        ],
    )(src_d, dst_d)


def _agg_body(hs_hbm, src_hbm, dst_hbm, out_hbm,
              idx_s, idx_d, rows0, rows1, sem0, sem1, agg_sh):
    c = lax.axis_index("c")
    s = lax.axis_index("s")
    wid = c * _NS + s
    zero16 = jnp.zeros((16,), _f32)

    def zero_row(i, _):
        for k in range(8):
            rows0[i, pl.ds(k * 16, 16)] = zero16
        return 0

    lax.fori_loop(0, _CH, zero_row, 0)

    base = s * _RPW
    for t in range(_RPW // _CH):
        pltpu.sync_copy(rows0, agg_sh.at[pl.ds(base + t * _CH, _CH)])

    plsc.subcore_barrier()

    for h in range(_NCH // _HCH):
        pltpu.sync_copy(src_hbm.at[wid, pl.ds(h * _HCH, _HCH)], idx_s)
        pltpu.sync_copy(dst_hbm.at[wid, pl.ds(h * _HCH, _HCH)], idx_d)
        pltpu.make_async_copy(hs_hbm.at[idx_s.at[0]], rows0, sem0).start()

        def pair(j2, _):
            j = 2 * j2
            pltpu.make_async_copy(hs_hbm.at[idx_s.at[j + 1]], rows1, sem1).start()
            pltpu.make_async_copy(hs_hbm.at[idx_s.at[j]], rows0, sem0).wait()
            pltpu.sync_copy(rows0, agg_sh.at[idx_d.at[j]], add=True)

            @pl.when(j2 < _HCH // 2 - 1)
            def _():
                pltpu.make_async_copy(hs_hbm.at[idx_s.at[j + 2]], rows0, sem0).start()

            pltpu.make_async_copy(hs_hbm.at[idx_s.at[j + 1]], rows1, sem1).wait()
            pltpu.sync_copy(rows1, agg_sh.at[idx_d.at[j + 1]], add=True)
            return 0

        lax.fori_loop(0, _HCH // 2, pair, 0)
    plsc.subcore_barrier()

    pltpu.sync_copy(agg_sh.at[pl.ds(base, _RPW)],
                    out_hbm.at[c].at[pl.ds(base, _RPW)])


@jax.jit
def _agg_pass(hs, src_a, dst_a):
    return pl.kernel(
        _agg_body,
        out_type=jax.ShapeDtypeStruct((_NC, _N_PAD, _D), _f32),
        mesh=_sc_mesh(),
        scratch_types=[
            pltpu.VMEM((_HCH, _CH), jnp.int32),
            pltpu.VMEM((_HCH, _CH), jnp.int32),
            pltpu.VMEM((_CH, _D), _f32),
            pltpu.VMEM((_CH, _D), _f32),
            pltpu.SemaphoreType.DMA,
            pltpu.SemaphoreType.DMA,
            pltpu.VMEM_SHARED((_N_PAD, _D), _f32),
        ],
    )(hs, src_a, dst_a)


_BLK = 2560


def _norm_body(do0, do1, di0, di1, x, hs_out, nin_out, nout_out):
    deg_o = do0[...] + do1[...] + 1.0
    deg_i = di0[...] + di1[...] + 1.0
    no = lax.rsqrt(deg_o)
    ni = lax.rsqrt(deg_i)
    nout_out[...] = no
    nin_out[...] = ni
    hs_out[...] = x[...] * no


def _norm_pass(do0, do1, di0, di1, x_pad):
    col = pl.BlockSpec((_BLK, 1), lambda i: (i, 0))
    mat = pl.BlockSpec((_BLK, _D), lambda i: (i, 0))
    return pl.pallas_call(
        _norm_body,
        grid=(_N_PAD // _BLK,),
        in_specs=[col, col, col, col, mat],
        out_specs=[mat, col, col],
        out_shape=[
            jax.ShapeDtypeStruct((_N_PAD, _D), _f32),
            jax.ShapeDtypeStruct((_N_PAD, 1), _f32),
            jax.ShapeDtypeStruct((_N_PAD, 1), _f32),
        ],
    )(do0, do1, di0, di1, x_pad)


def _layer_body(act, agg0, agg1, hs, nin, nout, w, b, out, hsn):
    t = (agg0[...] + agg1[...] + hs[...]) * nin[...]
    o = jnp.dot(t, w[...], preferred_element_type=_f32) + b[...]
    if act:
        o = jnp.maximum(o, 0.0)
    out[...] = o
    hsn[...] = o * nout[...]


def _layer_pass(agg, hs, nin, nout, w, b, act):
    col = pl.BlockSpec((_BLK, 1), lambda i: (i, 0))
    mat = pl.BlockSpec((_BLK, _D), lambda i: (i, 0))
    full = pl.BlockSpec((_D, _D), lambda i: (0, 0))
    brow = pl.BlockSpec((1, _D), lambda i: (0, 0))
    return pl.pallas_call(
        functools.partial(_layer_body, act),
        grid=(_N_PAD // _BLK,),
        in_specs=[mat, mat, mat, col, col, full, brow],
        out_specs=[mat, mat],
        out_shape=[
            jax.ShapeDtypeStruct((_N_PAD, _D), _f32),
            jax.ShapeDtypeStruct((_N_PAD, _D), _f32),
        ],
    )(agg[0], agg[1], hs, nin, nout, w, b)


def kernel(x, edge_index, W1, b1, W2, b2, W3, b3):
    src = edge_index[0]
    dst = edge_index[1]
    pad = _E_PAD - _E
    i32 = jnp.int32

    src_a = jnp.concatenate([src, jnp.zeros((pad,), i32)]).reshape(_NW, _NCH, _CH)
    dst_a = jnp.concatenate([jnp.where(src == dst, _N, dst),
                             jnp.full((pad,), _N, i32)]).reshape(_NW, _NCH, _CH)
    src_d = jnp.concatenate([src, jnp.full((pad,), _N, i32)]).reshape(_NW, _NCH, _CH)
    dst_d = jnp.concatenate([dst, jnp.full((pad,), _N, i32)]).reshape(_NW, _NCH, _CH)

    degp = _deg_pass(src_d, dst_d)
    degc = degp.reshape(_NC, 2, _N_PAD, 1)

    x_pad = jnp.concatenate([x, jnp.zeros((_N_PAD - _N, _D), _f32)])
    hs, nin, nout = _norm_pass(degc[0, 0], degc[1, 0], degc[0, 1], degc[1, 1], x_pad)

    agg = _agg_pass(hs, src_a, dst_a)
    h, hs = _layer_pass(agg, hs, nin, nout, W1, b1.reshape(1, _D), True)
    agg = _agg_pass(hs, src_a, dst_a)
    h, hs = _layer_pass(agg, hs, nin, nout, W2, b2.reshape(1, _D), True)
    agg = _agg_pass(hs, src_a, dst_a)
    h, _ = _layer_pass(agg, hs, nin, nout, W3, b3.reshape(1, _D), False)
    return h[:_N]

# --- scband reference (transcript-rebuilt; emitter-appended) ---
"""Pipeline reference for scband-gcn-47571057770576 (READ-ONLY COPY).

The authoritative reference and input builder live on the scoring server;
editing this copy changes nothing except your own understanding.
"""

import jax, jax.numpy as jnp
import numpy as np

N = 10000
E = 320000
D = 128


def setup_inputs(seed: int = 0) -> dict:
    key = jax.random.key(seed)
    ks = jax.random.split(key, 10)
    x = jax.random.normal(ks[0], (N, D), dtype=jnp.float32)
    edge_index = jax.random.randint(ks[1], (2, E), 0, N, dtype=jnp.int32)
    scale = 1.0 / np.sqrt(D)
    W1 = jax.random.normal(ks[2], (D, D), dtype=jnp.float32) * scale
    b1 = jnp.zeros((D,), dtype=jnp.float32)
    W2 = jax.random.normal(ks[3], (D, D), dtype=jnp.float32) * scale
    b2 = jnp.zeros((D,), dtype=jnp.float32)
    W3 = jax.random.normal(ks[4], (D, D), dtype=jnp.float32) * scale
    b3 = jnp.zeros((D,), dtype=jnp.float32)
    return {"x": x, "edge_index": edge_index, "W1": W1, "b1": b1, "W2": W2, "b2": b2, "W3": W3, "b3": b3}


def _gcn_layer(h, src, dst, w, W, b, act):
    # DGL GraphConv with norm='both': H' = D_in^{-1/2} A D_out^{-1/2} H W + b
    deg_out = jnp.zeros((N,), dtype=jnp.float32).at[src].add(w)
    deg_in = jnp.zeros((N,), dtype=jnp.float32).at[dst].add(w)
    norm_out = jnp.where(deg_out > 0, deg_out ** -0.5, 0.0)
    norm_in = jnp.where(deg_in > 0, deg_in ** -0.5, 0.0)
    m = (h * norm_out[:, None])[src] * w[:, None]         # gather over src
    agg = jnp.zeros((N, h.shape[1]), dtype=jnp.float32).at[dst].add(m)  # scatter-add
    out = (agg * norm_in[:, None]) @ W + b
    if act:
        out = jax.nn.relu(out)
    return out


def reference(x, edge_index, W1, b1, W2, b2, W3, b3):
    src = edge_index[0]
    dst = edge_index[1]
    # g.remove_self_loop().add_self_loop()
    w_e = (src != dst).astype(jnp.float32)
    loops = jnp.arange(N, dtype=src.dtype)
    src = jnp.concatenate([src, loops])
    dst = jnp.concatenate([dst, loops])
    w = jnp.concatenate([w_e, jnp.ones((N,), dtype=jnp.float32)])
    h = _gcn_layer(x, src, dst, w, W1, b1, True)
    # dropout p=0.0 -> identity
    h = _gcn_layer(h, src, dst, w, W2, b2, True)
    h = _gcn_layer(h, src, dst, w, W3, b3, False)
    return h

if __name__ == "__main__":
    import jax
    _d = setup_inputs()
    print(jax.jit(kernel)(*tuple(_d.values())))

</pallas_src>

<mosaic_0001>
#map = affine_map<(d0, d1) -> (0, 0, 0)>
module attributes {stable_mosaic.version = 14 : i64} {
  func.func @_deg_body(%arg0: i32, %arg1: i32, %arg2: memref<32x80x128xi32, #tpu.memory_space<hbm>>, %arg3: memref<32x80x128xi32, #tpu.memory_space<hbm>>, %arg4: memref<2x2x10240xf32, #tpu.memory_space<hbm>>, %arg5: memref<80x128xi32, #tpu.memory_space<vmem>>, %arg6: memref<80x128xi32, #tpu.memory_space<vmem>>, %arg7: memref<128xf32, #tpu.memory_space<vmem>>, %arg8: memref<128xf32, #tpu.memory_space<vmem>>, %arg9: memref<10240xf32, #tpu.memory_space<vmem_shared>>, %arg10: memref<10240xf32, #tpu.memory_space<vmem_shared>>) attributes {dimension_semantics = [#tpu.dimension_semantics<core_parallel>, #tpu.dimension_semantics<subcore_parallel>], iteration_bounds = array<i64: 2, 16>, scalar_prefetch = 0 : i64, scratch_operands = 6 : i64, tpu.core_type = #tpu.core_type<sc_vector_subcore>, window_params = [{transform_indices = #map}, {transform_indices = #map}, {transform_indices = #map}]} {
    %mul3A = arith.constant 16 : i32
    %mul3A_0 = arith.muli %arg0, %mul3A : i32
    %add3A = arith.addi %mul3A_0, %arg1 : i32
    %broadcast_in_dim3A = arith.constant 0.000000e+00 : f32
    %broadcast_in_dim3A_1 = vector.broadcast %broadcast_in_dim3A : f32 to vector<16xf32>
    %swap3A = arith.constant 0 : index
    %swap3A_2 = tpu.vector_load %arg8[%swap3A] {strides = array<i32>} : memref<128xf32, #tpu.memory_space<vmem>>, vector<16xf32>,
    %swap3A_3 = vector.shape_cast %swap3A_2 : vector<16xf32> to vector<16xf32>
    %swap3A_4 = vector.shape_cast %broadcast_in_dim3A_1 : vector<16xf32> to vector<16xf32>
    tpu.vector_store %arg8[%swap3A], %swap3A_4 {strides = array<i32>} : memref<128xf32, #tpu.memory_space<vmem>>, vector<16xf32>,
    %swap3A_5 = arith.constant 16 : index
    %swap3A_6 = tpu.vector_load %arg8[%swap3A_5] {strides = array<i32>} : memref<128xf32, #tpu.memory_space<vmem>>, vector<16xf32>,
    %swap3A_7 = vector.shape_cast %swap3A_6 : vector<16xf32> to vector<16xf32>
    %swap3A_8 = vector.shape_cast %broadcast_in_dim3A_1 : vector<16xf32> to vector<16xf32>
    tpu.vector_store %arg8[%swap3A_5], %swap3A_8 {strides = array<i32>} : memref<128xf32, #tpu.memory_space<vmem>>, vector<16xf32>,
    %swap3A_9 = arith.constant 32 : index
    %swap3A_10 = tpu.vector_load %arg8[%swap3A_9] {strides = array<i32>} : memref<128xf32, #tpu.memory_space<vmem>>, vector<16xf32>,
    %swap3A_11 = vector.shape_cast %swap3A_10 : vector<16xf32> to vector<16xf32>
    %swap3A_12 = vector.shape_cast %broadcast_in_dim3A_1 : vector<16xf32> to vector<16xf32>
    tpu.vector_store %arg8[%swap3A_9], %swap3A_12 {strides = array<i32>} : memref<128xf32, #tpu.memory_space<vmem>>, vector<16xf32>,
    %swap3A_13 = arith.constant 48 : index
    %swap3A_14 = tpu.vector_load %arg8[%swap3A_13] {strides = array<i32>} : memref<128xf32, #tpu.memory_space<vmem>>, vector<16xf32>,
    %swap3A_15 = vector.shape_cast %swap3A_14 : vector<16xf32> to vector<16xf32>
    %swap3A_16 = vector.shape_cast %broadcast_in_dim3A_1 : vector<16xf32> to vector<16xf32>
    tpu.vector_store %arg8[%swap3A_13], %swap3A_16 {strides = array<i32>} : memref<128xf32, #tpu.memory_space<vmem>>, vector<16xf32>,
    %swap3A_17 = arith.constant 64 : index
    %swap3A_18 = tpu.vector_load %arg8[%swap3A_17] {strides = array<i32>} : memref<128xf32, #tpu.memory_space<vmem>>, vector<16xf32>,
    %swap3A_19 = vector.shape_cast %swap3A_18 : vector<16xf32> to vector<16xf32>
    %swap3A_20 = vector.shape_cast %broadcast_in_dim3A_1 : vector<16xf32> to vector<16xf32>
    tpu.vector_store %arg8[%swap3A_17], %swap3A_20 {strides = array<i32>} : memref<128xf32, #tpu.memory_space<vmem>>, vector<16xf32>,
    %swap3A_21 = arith.constant 80 : index
    %swap3A_22 = tpu.vector_load %arg8[%swap3A_21] {strides = array<i32>} : memref<128xf32, #tpu.memory_space<vmem>>, vector<16xf32>,
    %swap3A_23 = vector.shape_cast %swap3A_22 : vector<16xf32> to vector<16xf32>
    %swap3A_24 = vector.shape_cast %broadcast_in_dim3A_1 : vector<16xf32> to vector<16xf32>
    tpu.vector_store %arg8[%swap3A_21], %swap3A_24 {strides = array<i32>} : memref<128xf32, #tpu.memory_space<vmem>>, vector<16xf32>,
    %swap3A_25 = arith.constant 96 : index
    %swap3A_26 = tpu.vector_load %arg8[%swap3A_25] {strides = array<i32>} : memref<128xf32, #tpu.memory_space<vmem>>, vector<16xf32>,
    %swap3A_27 = vector.shape_cast %swap3A_26 : vector<16xf32> to vector<16xf32>
    %swap3A_28 = vector.shape_cast %broadcast_in_dim3A_1 : vector<16xf32> to vector<16xf32>
    tpu.vector_store %arg8[%swap3A_25], %swap3A_28 {strides = array<i32>} : memref<128xf32, #tpu.memory_space<vmem>>, vector<16xf32>,
    %swap3A_29 = arith.constant 112 : index
    %swap3A_30 = tpu.vector_load %arg8[%swap3A_29] {strides = array<i32>} : memref<128xf32, #tpu.memory_space<vmem>>, vector<16xf32>,
    %swap3A_31 = vector.shape_cast %swap3A_30 : vector<16xf32> to vector<16xf32>
    %swap3A_32 = vector.shape_cast %broadcast_in_dim3A_1 : vector<16xf32> to vector<16xf32>
    tpu.vector_store %arg8[%swap3A_29], %swap3A_32 {strides = array<i32>} : memref<128xf32, #tpu.memory_space<vmem>>, vector<16xf32>,
    %eq3A = arith.constant 0 : i32
    %eq3A_33 = arith.cmpi eq, %arg1, %eq3A : i32
    %convert_element_type3A = arith.extui %eq3A_33 : i1 to i32
    %cond3A = arith.constant 0 : i32
    %cond3A_34 = arith.cmpi ne, %convert_element_type3A, %cond3A : i32
    scf.if %cond3A_34 {
      %scan3A_52 = arith.constant 0 : i32
      %scan3A_53 = arith.constant 0 : i32
      %scan3A_54 = arith.constant 80 : i32
      %scan3A_55 = arith.addi %scan3A_53, %scan3A_54 : i32
      %scan3A_56 = arith.constant 1 : i32
      %scan3A_57 = scf.for %scan3A_59 = %scan3A_53 to %scan3A_55 step %scan3A_56 iter_args(%scan3A_60 = %scan3A_52) -> (i32)  : i32 {
        %mul3A_61 = arith.constant 128 : i32
        %mul3A_62 = arith.muli %scan3A_59, %mul3A_61 : i32
        "tpu.region"() ({
          %run_scoped3A = tpu.sem_alloc : memref<!tpu.dma_semaphore, #tpu.memory_space<semaphore_mem>>
          %dma_start3A = tpu.memref_slice %arg9[%mul3A_62] : memref<10240xf32, #tpu.memory_space<vmem_shared>> -> memref<128xf32, #tpu.memory_space<vmem_shared>>
          %dma_start3A_66 = tpu.memref_slice %arg9[%mul3A_62] : memref<10240xf32, #tpu.memory_space<vmem_shared>> -> memref<128xf32, #tpu.memory_space<vmem_shared>>
          tpu.enqueue_dma source(%arg8 : memref<128xf32, #tpu.memory_space<vmem>>) target(%dma_start3A_66 : memref<128xf32, #tpu.memory_space<vmem_shared>>) target_semaphore(%run_scoped3A : memref<!tpu.dma_semaphore, #tpu.memory_space<semaphore_mem>>)
          %dma_wait3A = tpu.memref_slice %arg9[%mul3A_62] : memref<10240xf32, #tpu.memory_space<vmem_shared>> -> memref<128xf32, #tpu.memory_space<vmem_shared>>
          %dma_wait3A_67 = tpu.memref_slice %arg9[%mul3A_62] : memref<10240xf32, #tpu.memory_space<vmem_shared>> -> memref<128xf32, #tpu.memory_space<vmem_shared>>
          tpu.wait_dma2 semaphore(%run_scoped3A : memref<!tpu.dma_semaphore, #tpu.memory_space<semaphore_mem>>) src(%arg8 : memref<128xf32, #tpu.memory_space<vmem>>) dst(%dma_wait3A_67 : memref<128xf32, #tpu.memory_space<vmem_shared>>)
          tpu.yield
        }) : () -> ()
        %mul3A_63 = arith.constant 128 : i32
        %mul3A_64 = arith.muli %scan3A_59, %mul3A_63 : i32
        "tpu.region"() ({
          %run_scoped3A = tpu.sem_alloc : memref<!tpu.dma_semaphore, #tpu.memory_space<semaphore_mem>>
          %dma_start3A = tpu.memref_slice %arg10[%mul3A_64] : memref<10240xf32, #tpu.memory_space<vmem_shared>> -> memref<128xf32, #tpu.memory_space<vmem_shared>>
          %dma_start3A_66 = tpu.memref_slice %arg10[%mul3A_64] : memref<10240xf32, #tpu.memory_space<vmem_shared>> -> memref<128xf32, #tpu.memory_space<vmem_shared>>
          tpu.enqueue_dma source(%arg8 : memref<128xf32, #tpu.memory_space<vmem>>) target(%dma_start3A_66 : memref<128xf32, #tpu.memory_space<vmem_shared>>) target_semaphore(%run_scoped3A : memref<!tpu.dma_semaphore, #tpu.memory_space<semaphore_mem>>)
          %dma_wait3A = tpu.memref_slice %arg10[%mul3A_64] : memref<10240xf32, #tpu.memory_space<vmem_shared>> -> memref<128xf32, #tpu.memory_space<vmem_shared>>
          %dma_wait3A_67 = tpu.memref_slice %arg10[%mul3A_64] : memref<10240xf32, #tpu.memory_space<vmem_shared>> -> memref<128xf32, #tpu.memory_space<vmem_shared>>
          tpu.wait_dma2 semaphore(%run_scoped3A : memref<!tpu.dma_semaphore, #tpu.memory_space<semaphore_mem>>) src(%arg8 : memref<128xf32, #tpu.memory_space<vmem>>) dst(%dma_wait3A_67 : memref<128xf32, #tpu.memory_space<vmem_shared>>)
          tpu.yield
        }) : () -> ()
        %scan3A_65 = arith.constant 0 : i32
        scf.yield %scan3A_65 : i32
      }
      %scan3A_58 = arith.constant 80 : i32
    } else {
    }
    "tpu.region"() ({
      %run_scoped3A = tpu.sem_alloc : memref<!tpu.dma_semaphore, #tpu.memory_space<semaphore_mem>>
      %dma_start3A = arith.constant 0 : i32
      %dma_start3A_52 = arith.constant 0 : i32
      %dma_start3A_53 = tpu.memref_slice %arg2[%add3A, %dma_start3A, %dma_start3A_52] : memref<32x80x128xi32, #tpu.memory_space<hbm>> -> memref<1x80x128xi32, #tpu.memory_space<hbm>>
      %dma_start3A_54 = tpu.memref_squeeze %dma_start3A_53 : memref<1x80x128xi32, #tpu.memory_space<hbm>> -> memref<80x128xi32, #tpu.memory_space<hbm>>
      %dma_start3A_55 = arith.constant 0 : i32
      %dma_start3A_56 = arith.constant 0 : i32
      %dma_start3A_57 = tpu.memref_slice %arg2[%add3A, %dma_start3A_55, %dma_start3A_56] : memref<32x80x128xi32, #tpu.memory_space<hbm>> -> memref<1x80x128xi32, #tpu.memory_space<hbm>>
      %dma_start3A_58 = tpu.memref_squeeze %dma_start3A_57 : memref<1x80x128xi32, #tpu.memory_space<hbm>> -> memref<80x128xi32, #tpu.memory_space<hbm>>
      tpu.enqueue_dma source(%dma_start3A_58 : memref<80x128xi32, #tpu.memory_space<hbm>>) target(%arg5 : memref<80x128xi32, #tpu.memory_space<vmem>>) target_semaphore(%run_scoped3A : memref<!tpu.dma_semaphore, #tpu.memory_space<semaphore_mem>>)
      %dma_wait3A = arith.constant 0 : i32
      %dma_wait3A_59 = arith.constant 0 : i32
      %dma_wait3A_60 = tpu.memref_slice %arg2[%add3A, %dma_wait3A, %dma_wait3A_59] : memref<32x80x128xi32, #tpu.memory_space<hbm>> -> memref<1x80x128xi32, #tpu.memory_space<hbm>>
      %dma_wait3A_61 = tpu.memref_squeeze %dma_wait3A_60 : memref<1x80x128xi32, #tpu.memory_space<hbm>> -> memref<80x128xi32, #tpu.memory_space<hbm>>
      %dma_wait3A_62 = arith.constant 0 : i32
      %dma_wait3A_63 = arith.constant 0 : i32
      %dma_wait3A_64 = tpu.memref_slice %arg2[%add3A, %dma_wait3A_62, %dma_wait3A_63] : memref<32x80x128xi32, #tpu.memory_space<hbm>> -> memref<1x80x128xi32, #tpu.memory_space<hbm>>
      %dma_wait3A_65 = tpu.memref_squeeze %dma_wait3A_64 : memref<1x80x128xi32, #tpu.memory_space<hbm>> -> memref<80x128xi32, #tpu.memory_space<hbm>>
      tpu.wait_dma2 semaphore(%run_scoped3A : memref<!tpu.dma_semaphore, #tpu.memory_space<semaphore_mem>>) src(%dma_wait3A_65 : memref<80x128xi32, #tpu.memory_space<hbm>>) dst(%arg5 : memref<80x128xi32, #tpu.memory_space<vmem>>)
      tpu.yield
    }) : () -> ()
    "tpu.region"() ({
      %run_scoped3A = tpu.sem_alloc : memref<!tpu.dma_semaphore, #tpu.memory_space<semaphore_mem>>
      %dma_start3A = arith.constant 0 : i32
      %dma_start3A_52 = arith.constant 0 : i32
      %dma_start3A_53 = tpu.memref_slice %arg3[%add3A, %dma_start3A, %dma_start3A_52] : memref<32x80x128xi32, #tpu.memory_space<hbm>> -> memref<1x80x128xi32, #tpu.memory_space<hbm>>
      %dma_start3A_54 = tpu.memref_squeeze %dma_start3A_53 : memref<1x80x128xi32, #tpu.memory_space<hbm>> -> memref<80x128xi32, #tpu.memory_space<hbm>>
      %dma_start3A_55 = arith.constant 0 : i32
      %dma_start3A_56 = arith.constant 0 : i32
      %dma_start3A_57 = tpu.memref_slice %arg3[%add3A, %dma_start3A_55, %dma_start3A_56] : memref<32x80x128xi32, #tpu.memory_space<hbm>> -> memref<1x80x128xi32, #tpu.memory_space<hbm>>
      %dma_start3A_58 = tpu.memref_squeeze %dma_start3A_57 : memref<1x80x128xi32, #tpu.memory_space<hbm>> -> memref<80x128xi32, #tpu.memory_space<hbm>>
      tpu.enqueue_dma source(%dma_start3A_58 : memref<80x128xi32, #tpu.memory_space<hbm>>) target(%arg6 : memref<80x128xi32, #tpu.memory_space<vmem>>) target_semaphore(%run_scoped3A : memref<!tpu.dma_semaphore, #tpu.memory_space<semaphore_mem>>)
      %dma_wait3A = arith.constant 0 : i32
      %dma_wait3A_59 = arith.constant 0 : i32
      %dma_wait3A_60 = tpu.memref_slice %arg3[%add3A, %dma_wait3A, %dma_wait3A_59] : memref<32x80x128xi32, #tpu.memory_space<hbm>> -> memref<1x80x128xi32, #tpu.memory_space<hbm>>
      %dma_wait3A_61 = tpu.memref_squeeze %dma_wait3A_60 : memref<1x80x128xi32, #tpu.memory_space<hbm>> -> memref<80x128xi32, #tpu.memory_space<hbm>>
      %dma_wait3A_62 = arith.constant 0 : i32
      %dma_wait3A_63 = arith.constant 0 : i32
      %dma_wait3A_64 = tpu.memref_slice %arg3[%add3A, %dma_wait3A_62, %dma_wait3A_63] : memref<32x80x128xi32, #tpu.memory_space<hbm>> -> memref<1x80x128xi32, #tpu.memory_space<hbm>>
      %dma_wait3A_65 = tpu.memref_squeeze %dma_wait3A_64 : memref<1x80x128xi32, #tpu.memory_space<hbm>> -> memref<80x128xi32, #tpu.memory_space<hbm>>
      tpu.wait_dma2 semaphore(%run_scoped3A : memref<!tpu.dma_semaphore, #tpu.memory_space<semaphore_mem>>) src(%dma_wait3A_65 : memref<80x128xi32, #tpu.memory_space<hbm>>) dst(%arg6 : memref<80x128xi32, #tpu.memory_space<vmem>>)
      tpu.yield
    }) : () -> ()
    %barrier3A = arith.constant 0 : index
    tpu.barrier barrier_id(%barrier3A)
    %scan3A = arith.constant 0 : i32
    %scan3A_35 = arith.constant 0 : i32
    %scan3A_36 = arith.constant 80 : i32
    %scan3A_37 = arith.addi %scan3A_35, %scan3A_36 : i32
    %scan3A_38 = arith.constant 1 : i32
    %scan3A_39 = scf.for %scan3A_52 = %scan3A_35 to %scan3A_37 step %scan3A_38 iter_args(%scan3A_53 = %scan3A) -> (i32)  : i32 {
      %get3A = arith.index_cast %scan3A_52 : i32 to index
      %get3A_54 = arith.constant 0 : index
      %get3A_55 = tpu.vector_load %arg5[%get3A, %get3A_54] {strides = array<i32>} : memref<80x128xi32, #tpu.memory_space<vmem>>, vector<1x16xi32>,
      %get3A_56 = vector.shape_cast %get3A_55 : vector<1x16xi32> to vector<16xi32>
      %get3A_57 = arith.index_cast %scan3A_52 : i32 to index
      %get3A_58 = arith.constant 0 : index
      %get3A_59 = tpu.vector_load %arg6[%get3A_57, %get3A_58] {strides = array<i32>} : memref<80x128xi32, #tpu.memory_space<vmem>>, vector<1x16xi32>,
      %get3A_60 = vector.shape_cast %get3A_59 : vector<1x16xi32> to vector<16xi32>
      %eq3A_61 = arith.cmpi eq, %get3A_56, %get3A_60 : vector<16xi32>
      %jit3A = arith.constant 0.000000e+00 : f32
      %jit3A_62 = arith.constant 1.000000e+00 : f32
      %broadcast_in_dim3A_63 = vector.broadcast %jit3A : f32 to vector<16xf32>
      %broadcast_in_dim3A_64 = vector.broadcast %jit3A_62 : f32 to vector<16xf32>
      %select_n3A = arith.select %eq3A_61, %broadcast_in_dim3A_63, %broadcast_in_dim3A_64 : vector<16xi1>, vector<16xf32>
      %swap3A_65 = arith.constant 0 : index
      %swap3A_66 = tpu.vector_load %arg7[%swap3A_65] {strides = array<i32>} : memref<128xf32, #tpu.memory_space<vmem>>, vector<16xf32>,
      %swap3A_67 = vector.shape_cast %swap3A_66 : vector<16xf32> to vector<16xf32>
      %swap3A_68 = vector.shape_cast %select_n3A : vector<16xf32> to vector<16xf32>
      tpu.vector_store %arg7[%swap3A_65], %swap3A_68 {strides = array<i32>} : memref<128xf32, #tpu.memory_space<vmem>>, vector<16xf32>,
      %get3A_69 = arith.index_cast %scan3A_52 : i32 to index
      %get3A_70 = arith.constant 16 : index
      %get3A_71 = tpu.vector_load %arg5[%get3A_69, %get3A_70] {strides = array<i32>} : memref<80x128xi32, #tpu.memory_space<vmem>>, vector<1x16xi32>,
      %get3A_72 = vector.shape_cast %get3A_71 : vector<1x16xi32> to vector<16xi32>
      %get3A_73 = arith.index_cast %scan3A_52 : i32 to index
      %get3A_74 = arith.constant 16 : index
      %get3A_75 = tpu.vector_load %arg6[%get3A_73, %get3A_74] {strides = array<i32>} : memref<80x128xi32, #tpu.memory_space<vmem>>, vector<1x16xi32>,
      %get3A_76 = vector.shape_cast %get3A_75 : vector<1x16xi32> to vector<16xi32>
      %eq3A_77 = arith.cmpi eq, %get3A_72, %get3A_76 : vector<16xi32>
      %jit3A_78 = arith.constant 0.000000e+00 : f32
      %jit3A_79 = arith.constant 1.000000e+00 : f32
      %broadcast_in_dim3A_80 = vector.broadcast %jit3A_78 : f32 to vector<16xf32>
      %broadcast_in_dim3A_81 = vector.broadcast %jit3A_79 : f32 to vector<16xf32>
      %select_n3A_82 = arith.select %eq3A_77, %broadcast_in_dim3A_80, %broadcast_in_dim3A_81 : vector<16xi1>, vector<16xf32>
      %swap3A_83 = arith.constant 16 : index
      %swap3A_84 = tpu.vector_load %arg7[%swap3A_83] {strides = array<i32>} : memref<128xf32, #tpu.memory_space<vmem>>, vector<16xf32>,
      %swap3A_85 = vector.shape_cast %swap3A_84 : vector<16xf32> to vector<16xf32>
      %swap3A_86 = vector.shape_cast %select_n3A_82 : vector<16xf32> to vector<16xf32>
      tpu.vector_store %arg7[%swap3A_83], %swap3A_86 {strides = array<i32>} : memref<128xf32, #tpu.memory_space<vmem>>, vector<16xf32>,
      %get3A_87 = arith.index_cast %scan3A_52 : i32 to index
      %get3A_88 = arith.constant 32 : index
      %get3A_89 = tpu.vector_load %arg5[%get3A_87, %get3A_88] {strides = array<i32>} : memref<80x128xi32, #tpu.memory_space<vmem>>, vector<1x16xi32>,
      %get3A_90 = vector.shape_cast %get3A_89 : vector<1x16xi32> to vector<16xi32>
      %get3A_91 = arith.index_cast %scan3A_52 : i32 to index
      %get3A_92 = arith.constant 32 : index
      %get3A_93 = tpu.vector_load %arg6[%get3A_91, %get3A_92] {strides = array<i32>} : memref<80x128xi32, #tpu.memory_space<vmem>>, vector<1x16xi32>,
      %get3A_94 = vector.shape_cast %get3A_93 : vector<1x16xi32> to vector<16xi32>
      %eq3A_95 = arith.cmpi eq, %get3A_90, %get3A_94 : vector<16xi32>
      %jit3A_96 = arith.constant 0.000000e+00 : f32
      %jit3A_97 = arith.constant 1.000000e+00 : f32
      %broadcast_in_dim3A_98 = vector.broadcast %jit3A_96 : f32 to vector<16xf32>
      %broadcast_in_dim3A_99 = vector.broadcast %jit3A_97 : f32 to vector<16xf32>
      %select_n3A_100 = arith.select %eq3A_95, %broadcast_in_dim3A_98, %broadcast_in_dim3A_99 : vector<16xi1>, vector<16xf32>
      %swap3A_101 = arith.constant 32 : index
      %swap3A_102 = tpu.vector_load %arg7[%swap3A_101] {strides = array<i32>} : memref<128xf32, #tpu.memory_space<vmem>>, vector<16xf32>,
      %swap3A_103 = vector.shape_cast %swap3A_102 : vector<16xf32> to vector<16xf32>
      %swap3A_104 = vector.shape_cast %select_n3A_100 : vector<16xf32> to vector<16xf32>
      tpu.vector_store %arg7[%swap3A_101], %swap3A_104 {strides = array<i32>} : memref<128xf32, #tpu.memory_space<vmem>>, vector<16xf32>,
      %get3A_105 = arith.index_cast %scan3A_52 : i32 to index
      %get3A_106 = arith.constant 48 : index
      %get3A_107 = tpu.vector_load %arg5[%get3A_105, %get3A_106] {strides = array<i32>} : memref<80x128xi32, #tpu.memory_space<vmem>>, vector<1x16xi32>,
      %get3A_108 = vector.shape_cast %get3A_107 : vector<1x16xi32> to vector<16xi32>
      %get3A_109 = arith.index_cast %scan3A_52 : i32 to index
      %get3A_110 = arith.constant 48 : index
      %get3A_111 = tpu.vector_load %arg6[%get3A_109, %get3A_110] {strides = array<i32>} : memref<80x128xi32, #tpu.memory_space<vmem>>, vector<1x16xi32>,
      %get3A_112 = vector.shape_cast %get3A_111 : vector<1x16xi32> to vector<16xi32>
      %eq3A_113 = arith.cmpi eq, %get3A_108, %get3A_112 : vector<16xi32>
      %jit3A_114 = arith.constant 0.000000e+00 : f32
      %jit3A_115 = arith.constant 1.000000e+00 : f32
      %broadcast_in_dim3A_116 = vector.broadcast %jit3A_114 : f32 to vector<16xf32>
      %broadcast_in_dim3A_117 = vector.broadcast %jit3A_115 : f32 to vector<16xf32>
      %select_n3A_118 = arith.select %eq3A_113, %broadcast_in_dim3A_116, %broadcast_in_dim3A_117 : vector<16xi1>, vector<16xf32>
      %swap3A_119 = arith.constant 48 : index
      %swap3A_120 = tpu.vector_load %arg7[%swap3A_119] {strides = array<i32>} : memref<128xf32, #tpu.memory_space<vmem>>, vector<16xf32>,
      %swap3A_121 = vector.shape_cast %swap3A_120 : vector<16xf32> to vector<16xf32>
      %swap3A_122 = vector.shape_cast %select_n3A_118 : vector<16xf32> to vector<16xf32>
      tpu.vector_store %arg7[%swap3A_119], %swap3A_122 {strides = array<i32>} : memref<128xf32, #tpu.memory_space<vmem>>, vector<16xf32>,
      %get3A_123 = arith.index_cast %scan3A_52 : i32 to index
      %get3A_124 = arith.constant 64 : index
      %get3A_125 = tpu.vector_load %arg5[%get3A_123, %get3A_124] {strides = array<i32>} : memref<80x128xi32, #tpu.memory_space<vmem>>, vector<1x16xi32>,
      %get3A_126 = vector.shape_cast %get3A_125 : vector<1x16xi32> to vector<16xi32>
      %get3A_127 = arith.index_cast %scan3A_52 : i32 to index
      %get3A_128 = arith.constant 64 : index
      %get3A_129 = tpu.vector_load %arg6[%get3A_127, %get3A_128] {strides = array<i32>} : memref<80x128xi32, #tpu.memory_space<vmem>>, vector<1x16xi32>,
      %get3A_130 = vector.shape_cast %get3A_129 : vector<1x16xi32> to vector<16xi32>
      %eq3A_131 = arith.cmpi eq, %get3A_126, %get3A_130 : vector<16xi32>
      %jit3A_132 = arith.constant 0.000000e+00 : f32
      %jit3A_133 = arith.constant 1.000000e+00 : f32
      %broadcast_in_dim3A_134 = vector.broadcast %jit3A_132 : f32 to vector<16xf32>
      %broadcast_in_dim3A_135 = vector.broadcast %jit3A_133 : f32 to vector<16xf32>
      %select_n3A_136 = arith.select %eq3A_131, %broadcast_in_dim3A_134, %broadcast_in_dim3A_135 : vector<16xi1>, vector<16xf32>
      %swap3A_137 = arith.constant 64 : index
      %swap3A_138 = tpu.vector_load %arg7[%swap3A_137] {strides = array<i32>} : memref<128xf32, #tpu.memory_space<vmem>>, vector<16xf32>,
      %swap3A_139 = vector.shape_cast %swap3A_138 : vector<16xf32> to vector<16xf32>
      %swap3A_140 = vector.shape_cast %select_n3A_136 : vector<16xf32> to vector<16xf32>
      tpu.vector_store %arg7[%swap3A_137], %swap3A_140 {strides = array<i32>} : memref<128xf32, #tpu.memory_space<vmem>>, vector<16xf32>,
      %get3A_141 = arith.index_cast %scan3A_52 : i32 to index
      %get3A_142 = arith.constant 80 : index
      %get3A_143 = tpu.vector_load %arg5[%get3A_141, %get3A_142] {strides = array<i32>} : memref<80x128xi32, #tpu.memory_space<vmem>>, vector<1x16xi32>,
      %get3A_144 = vector.shape_cast %get3A_143 : vector<1x16xi32> to vector<16xi32>
      %get3A_145 = arith.index_cast %scan3A_52 : i32 to index
      %get3A_146 = arith.constant 80 : index
      %get3A_147 = tpu.vector_load %arg6[%get3A_145, %get3A_146] {strides = array<i32>} : memref<80x128xi32, #tpu.memory_space<vmem>>, vector<1x16xi32>,
      %get3A_148 = vector.shape_cast %get3A_147 : vector<1x16xi32> to vector<16xi32>
      %eq3A_149 = arith.cmpi eq, %get3A_144, %get3A_148 : vector<16xi32>
      %jit3A_150 = arith.constant 0.000000e+00 : f32
      %jit3A_151 = arith.constant 1.000000e+00 : f32
      %broadcast_in_dim3A_152 = vector.broadcast %jit3A_150 : f32 to vector<16xf32>
      %broadcast_in_dim3A_153 = vector.broadcast %jit3A_151 : f32 to vector<16xf32>
      %select_n3A_154 = arith.select %eq3A_149, %broadcast_in_dim3A_152, %broadcast_in_dim3A_153 : vector<16xi1>, vector<16xf32>
      %swap3A_155 = arith.constant 80 : index
      %swap3A_156 = tpu.vector_load %arg7[%swap3A_155] {strides = array<i32>} : memref<128xf32, #tpu.memory_space<vmem>>, vector<16xf32>,
      %swap3A_157 = vector.shape_cast %swap3A_156 : vector<16xf32> to vector<16xf32>
      %swap3A_158 = vector.shape_cast %select_n3A_154 : vector<16xf32> to vector<16xf32>
      tpu.vector_store %arg7[%swap3A_155], %swap3A_158 {strides = array<i32>} : memref<128xf32, #tpu.memory_space<vmem>>, vector<16xf32>,
      %get3A_159 = arith.index_cast %scan3A_52 : i32 to index
      %get3A_160 = arith.constant 96 : index
      %get3A_161 = tpu.vector_load %arg5[%get3A_159, %get3A_160] {strides = array<i32>} : memref<80x128xi32, #tpu.memory_space<vmem>>, vector<1x16xi32>,
      %get3A_162 = vector.shape_cast %get3A_161 : vector<1x16xi32> to vector<16xi32>
      %get3A_163 = arith.index_cast %scan3A_52 : i32 to index
      %get3A_164 = arith.constant 96 : index
      %get3A_165 = tpu.vector_load %arg6[%get3A_163, %get3A_164] {strides = array<i32>} : memref<80x128xi32, #tpu.memory_space<vmem>>, vector<1x16xi32>,
      %get3A_166 = vector.shape_cast %get3A_165 : vector<1x16xi32> to vector<16xi32>
      %eq3A_167 = arith.cmpi eq, %get3A_162, %get3A_166 : vector<16xi32>
      %jit3A_168 = arith.constant 0.000000e+00 : f32
      %jit3A_169 = arith.constant 1.000000e+00 : f32
      %broadcast_in_dim3A_170 = vector.broadcast %jit3A_168 : f32 to vector<16xf32>
      %broadcast_in_dim3A_171 = vector.broadcast %jit3A_169 : f32 to vector<16xf32>
      %select_n3A_172 = arith.select %eq3A_167, %broadcast_in_dim3A_170, %broadcast_in_dim3A_171 : vector<16xi1>, vector<16xf32>
      %swap3A_173 = arith.constant 96 : index
      %swap3A_174 = tpu.vector_load %arg7[%swap3A_173] {strides = array<i32>} : memref<128xf32, #tpu.memory_space<vmem>>, vector<16xf32>,
      %swap3A_175 = vector.shape_cast %swap3A_174 : vector<16xf32> to vector<16xf32>
      %swap3A_176 = vector.shape_cast %select_n3A_172 : vector<16xf32> to vector<16xf32>
      tpu.vector_store %arg7[%swap3A_173], %swap3A_176 {strides = array<i32>} : memref<128xf32, #tpu.memory_space<vmem>>, vector<16xf32>,
      %get3A_177 = arith.index_cast %scan3A_52 : i32 to index
      %get3A_178 = arith.constant 112 : index
      %get3A_179 = tpu.vector_load %arg5[%get3A_177, %get3A_178] {strides = array<i32>} : memref<80x128xi32, #tpu.memory_space<vmem>>, vector<1x16xi32>,
      %get3A_180 = vector.shape_cast %get3A_179 : vector<1x16xi32> to vector<16xi32>
      %get3A_181 = arith.index_cast %scan3A_52 : i32 to index
      %get3A_182 = arith.constant 112 : index
      %get3A_183 = tpu.vector_load %arg6[%get3A_181, %get3A_182] {strides = array<i32>} : memref<80x128xi32, #tpu.memory_space<vmem>>, vector<1x16xi32>,
      %get3A_184 = vector.shape_cast %get3A_183 : vector<1x16xi32> to vector<16xi32>
      %eq3A_185 = arith.cmpi eq, %get3A_180, %get3A_184 : vector<16xi32>
      %jit3A_186 = arith.constant 0.000000e+00 : f32
      %jit3A_187 = arith.constant 1.000000e+00 : f32
      %broadcast_in_dim3A_188 = vector.broadcast %jit3A_186 : f32 to vector<16xf32>
      %broadcast_in_dim3A_189 = vector.broadcast %jit3A_187 : f32 to vector<16xf32>
      %select_n3A_190 = arith.select %eq3A_185, %broadcast_in_dim3A_188, %broadcast_in_dim3A_189 : vector<16xi1>, vector<16xf32>
      %swap3A_191 = arith.constant 112 : index
      %swap3A_192 = tpu.vector_load %arg7[%swap3A_191] {strides = array<i32>} : memref<128xf32, #tpu.memory_space<vmem>>, vector<16xf32>,
      %swap3A_193 = vector.shape_cast %swap3A_192 : vector<16xf32> to vector<16xf32>
      %swap3A_194 = vector.shape_cast %select_n3A_190 : vector<16xf32> to vector<16xf32>
      tpu.vector_store %arg7[%swap3A_191], %swap3A_194 {strides = array<i32>} : memref<128xf32, #tpu.memory_space<vmem>>, vector<16xf32>,
      "tpu.region"() ({
        %run_scoped3A = tpu.sem_alloc : memref<!tpu.dma_semaphore, #tpu.memory_space<semaphore_mem>>
        %dma_start3A = arith.constant 0 : i32
        %dma_start3A_196 = tpu.memref_slice %arg5[%scan3A_52, %dma_start3A] : memref<80x128xi32, #tpu.memory_space<vmem>> -> memref<1x128xi32, #tpu.memory_space<vmem>>
        %dma_start3A_197 = tpu.memref_squeeze %dma_start3A_196 : memref<1x128xi32, #tpu.memory_space<vmem>> -> memref<128xi32, #tpu.memory_space<vmem>>
        %dma_start3A_198 = arith.constant 0 : i32
        %dma_start3A_199 = tpu.memref_slice %arg9[%dma_start3A_198] : memref<10240xf32, #tpu.memory_space<vmem_shared>> -> memref<10240xf32, #tpu.memory_space<vmem_shared>>
        tpu.enqueue_indirect_dma source(%arg7 : memref<128xf32, #tpu.memory_space<vmem>>) target(%dma_start3A_199 : memref<10240xf32, #tpu.memory_space<vmem_shared>>) offsets(%dma_start3A_197 : memref<128xi32, #tpu.memory_space<vmem>>) semaphore(%run_scoped3A : memref<!tpu.dma_semaphore, #tpu.memory_space<semaphore_mem>>) {add = true}
        %dma_wait3A = arith.constant 0 : i32
        %dma_wait3A_200 = tpu.memref_slice %arg5[%scan3A_52, %dma_wait3A] : memref<80x128xi32, #tpu.memory_space<vmem>> -> memref<1x128xi32, #tpu.memory_space<vmem>>
        %dma_wait3A_201 = tpu.memref_squeeze %dma_wait3A_200 : memref<1x128xi32, #tpu.memory_space<vmem>> -> memref<128xi32, #tpu.memory_space<vmem>>
        %dma_wait3A_202 = arith.constant 0 : i32
        %dma_wait3A_203 = tpu.memref_slice %arg9[%dma_wait3A_202] : memref<10240xf32, #tpu.memory_space<vmem_shared>> -> memref<10240xf32, #tpu.memory_space<vmem_shared>>
        tpu.wait_indirect_dma semaphore(%run_scoped3A : memref<!tpu.dma_semaphore, #tpu.memory_space<semaphore_mem>>) src(%arg7 : memref<128xf32, #tpu.memory_space<vmem>>) dst(%dma_wait3A_203 : memref<10240xf32, #tpu.memory_space<vmem_shared>>)
        tpu.yield
      }) : () -> ()
      "tpu.region"() ({
        %run_scoped3A = tpu.sem_alloc : memref<!tpu.dma_semaphore, #tpu.memory_space<semaphore_mem>>
        %dma_start3A = arith.constant 0 : i32
        %dma_start3A_196 = tpu.memref_slice %arg6[%scan3A_52, %dma_start3A] : memref<80x128xi32, #tpu.memory_space<vmem>> -> memref<1x128xi32, #tpu.memory_space<vmem>>
        %dma_start3A_197 = tpu.memref_squeeze %dma_start3A_196 : memref<1x128xi32, #tpu.memory_space<vmem>> -> memref<128xi32, #tpu.memory_space<vmem>>
        %dma_start3A_198 = arith.constant 0 : i32
        %dma_start3A_199 = tpu.memref_slice %arg10[%dma_start3A_198] : memref<10240xf32, #tpu.memory_space<vmem_shared>> -> memref<10240xf32, #tpu.memory_space<vmem_shared>>
        tpu.enqueue_indirect_dma source(%arg7 : memref<128xf32, #tpu.memory_space<vmem>>) target(%dma_start3A_199 : memref<10240xf32, #tpu.memory_space<vmem_shared>>) offsets(%dma_start3A_197 : memref<128xi32, #tpu.memory_space<vmem>>) semaphore(%run_scoped3A : memref<!tpu.dma_semaphore, #tpu.memory_space<semaphore_mem>>) {add = true}
        %dma_wait3A = arith.constant 0 : i32
        %dma_wait3A_200 = tpu.memref_slice %arg6[%scan3A_52, %dma_wait3A] : memref<80x128xi32, #tpu.memory_space<vmem>> -> memref<1x128xi32, #tpu.memory_space<vmem>>
        %dma_wait3A_201 = tpu.memref_squeeze %dma_wait3A_200 : memref<1x128xi32, #tpu.memory_space<vmem>> -> memref<128xi32, #tpu.memory_space<vmem>>
        %dma_wait3A_202 = arith.constant 0 : i32
        %dma_wait3A_203 = tpu.memref_slice %arg10[%dma_wait3A_202] : memref<10240xf32, #tpu.memory_space<vmem_shared>> -> memref<10240xf32, #tpu.memory_space<vmem_shared>>
        tpu.wait_indirect_dma semaphore(%run_scoped3A : memref<!tpu.dma_semaphore, #tpu.memory_space<semaphore_mem>>) src(%arg7 : memref<128xf32, #tpu.memory_space<vmem>>) dst(%dma_wait3A_203 : memref<10240xf32, #tpu.memory_space<vmem_shared>>)
        tpu.yield
      }) : () -> ()
      %scan3A_195 = arith.constant 0 : i32
      scf.yield %scan3A_195 : i32
    }
    %scan3A_40 = arith.constant 80 : i32
    %barrier3A_41 = arith.constant 0 : index
    tpu.barrier barrier_id(%barrier3A_41)
    %eq3A_42 = arith.constant 0 : i32
    %eq3A_43 = arith.cmpi eq, %arg1, %eq3A_42 : i32
    %convert_element_type3A_44 = arith.extui %eq3A_43 : i1 to i32
    %cond3A_45 = arith.constant 0 : i32
    %cond3A_46 = arith.cmpi ne, %convert_element_type3A_44, %cond3A_45 : i32
    scf.if %cond3A_46 {
      %run_scoped3A = arith.constant 0 : i32
      "tpu.region"() ({
        %run_scoped3A_52 = tpu.sem_alloc : memref<!tpu.dma_semaphore, #tpu.memory_space<semaphore_mem>>
        %dma_start3A = arith.constant 0 : i32
        %dma_start3A_53 = tpu.memref_slice %arg4[%arg0, %run_scoped3A, %dma_start3A] : memref<2x2x10240xf32, #tpu.memory_space<hbm>> -> memref<1x1x10240xf32, #tpu.memory_space<hbm>>
        %dma_start3A_54 = tpu.memref_squeeze %dma_start3A_53 : memref<1x1x10240xf32, #tpu.memory_space<hbm>> -> memref<10240xf32, #tpu.memory_space<hbm>>
        tpu.enqueue_dma source(%arg9 : memref<10240xf32, #tpu.memory_space<vmem_shared>>) target(%dma_start3A_54 : memref<10240xf32, #tpu.memory_space<hbm>>) target_semaphore(%run_scoped3A_52 : memref<!tpu.dma_semaphore, #tpu.memory_space<semaphore_mem>>)
        %dma_wait3A = arith.constant 0 : i32
        %dma_wait3A_55 = tpu.memref_slice %arg4[%arg0, %run_scoped3A, %dma_wait3A] : memref<2x2x10240xf32, #tpu.memory_space<hbm>> -> memref<1x1x10240xf32, #tpu.memory_space<hbm>>
        %dma_wait3A_56 = tpu.memref_squeeze %dma_wait3A_55 : memref<1x1x10240xf32, #tpu.memory_space<hbm>> -> memref<10240xf32, #tpu.memory_space<hbm>>
        tpu.wait_dma2 semaphore(%run_scoped3A_52 : memref<!tpu.dma_semaphore, #tpu.memory_space<semaphore_mem>>) src(%arg9 : memref<10240xf32, #tpu.memory_space<vmem_shared>>) dst(%dma_wait3A_56 : memref<10240xf32, #tpu.memory_space<hbm>>)
        tpu.yield
      }) : () -> ()
    } else {
    }
    %eq3A_47 = arith.constant 1 : i32
    %eq3A_48 = arith.cmpi eq, %arg1, %eq3A_47 : i32
    %convert_element_type3A_49 = arith.extui %eq3A_48 : i1 to i32
    %cond3A_50 = arith.constant 0 : i32
    %cond3A_51 = arith.cmpi ne, %convert_element_type3A_49, %cond3A_50 : i32
    scf.if %cond3A_51 {
      %run_scoped3A = arith.constant 1 : i32
      "tpu.region"() ({
        %run_scoped3A_52 = tpu.sem_alloc : memref<!tpu.dma_semaphore, #tpu.memory_space<semaphore_mem>>
        %dma_start3A = arith.constant 0 : i32
        %dma_start3A_53 = tpu.memref_slice %arg4[%arg0, %run_scoped3A, %dma_start3A] : memref<2x2x10240xf32, #tpu.memory_space<hbm>> -> memref<1x1x10240xf32, #tpu.memory_space<hbm>>
        %dma_start3A_54 = tpu.memref_squeeze %dma_start3A_53 : memref<1x1x10240xf32, #tpu.memory_space<hbm>> -> memref<10240xf32, #tpu.memory_space<hbm>>
        tpu.enqueue_dma source(%arg10 : memref<10240xf32, #tpu.memory_space<vmem_shared>>) target(%dma_start3A_54 : memref<10240xf32, #tpu.memory_space<hbm>>) target_semaphore(%run_scoped3A_52 : memref<!tpu.dma_semaphore, #tpu.memory_space<semaphore_mem>>)
        %dma_wait3A = arith.constant 0 : i32
        %dma_wait3A_55 = tpu.memref_slice %arg4[%arg0, %run_scoped3A, %dma_wait3A] : memref<2x2x10240xf32, #tpu.memory_space<hbm>> -> memref<1x1x10240xf32, #tpu.memory_space<hbm>>
        %dma_wait3A_56 = tpu.memref_squeeze %dma_wait3A_55 : memref<1x1x10240xf32, #tpu.memory_space<hbm>> -> memref<10240xf32, #tpu.memory_space<hbm>>
        tpu.wait_dma2 semaphore(%run_scoped3A_52 : memref<!tpu.dma_semaphore, #tpu.memory_space<semaphore_mem>>) src(%arg10 : memref<10240xf32, #tpu.memory_space<vmem_shared>>) dst(%dma_wait3A_56 : memref<10240xf32, #tpu.memory_space<hbm>>)
        tpu.yield
      }) : () -> ()
    } else {
    }
    return
  }
}

</mosaic_0001>

<sc_bundles>
// kernel: _deg_pass.3.cloned.1.call-start
scs
__scs_entry_jumppad:
0x0: {  	(pc) =	sbr.rel $0x88, $3  }
0x1: {  	(tag) =	ssettag $0x0;
	lr =	simm.s32 $0x1  }
0x2: {  	[smem:$0x3F9F] =	sst lr;
	_ =	strace $0xD0000000  }
0x3: {  	_ = 	snop  }
0x4: {  	_ = 	snop  }
0x5: {  	_ = 	snop  }
0x6: {  	_ = 	snop  }
0x7: {  	_ = 	snop  }
__scs_overlays_trampoline_lowered:
0x8: {  	[smem:$0x3FAE] =	sst s0  }
0x9: {  	[smem:$0x3FAF] =	sst s1  }
0xa: {  	[smem:$0x3FB0] =	sst s2  }
0xb: {  	[smem:$0x3FB1] =	sst s3  }
0xc: {  	[smem:$0x3FB2] =	sst s4  }
0xd: {  	[smem:$0x3FB3] =	sst s5  }
0xe: {  	[smem:$0x3FB4] =	sst s6  }
0xf: {  	[smem:$0x3FB5] =	sst s7  }
0x10: {  	[smem:$0x3FB6] =	sst s8  }
0x11: {  	[smem:$0x3FB7] =	sst s9;
	s0 =	simm.s32 @!p0 $0x0  }
0x12: {  	s1 =	sld [smem:$0x3F9D];
	s0 =	simm.s32 @p0 $0x1  }
0x13: {  	[smem:$0x3FB8] =	sst s0;
	s0 =	simm.s32 @!p1 $0x0  }
0x14: {  	s2 =	sld [smem:$0x3F9C];
	s0 =	simm.s32 @p1 $0x1  }
0x15: {  	[smem:$0x3FB9] =	sst s0;
	s0 =	simm.s32 @!p2 $0x0  }
0x16: {  	s3 =	sld [smem:$0x3FDB];
	s0 =	simm.s32 @p2 $0x1  }
0x17: {  	s4 =	simm.s32 $0x1BF5;
	[smem:$0x3FBB] =	sst s0  }
0x18: {  	s0 =	sld [smem:$0x3F9E];
	_ =	swait.ge [sflag:s4], $0x0  }
0x19: {  	s7 =	sld [smem:$0x3F9F]  }
0x1a: {  	s8 =	sadd.s32 $0xFFFFE003, lr  }
0x1b: {  	s9 =	sadd.s32 $0xFFFFFEF7, lr;
	s5 =	simm.s32 $0xFFFFFFFF;
	p2 =	slt.u32 s8, $0xFFFFF086  }
0x1c: {  	p1 =	slt.u32 s9, $0xF7A;
	s5 =	simm.s32 @!p2 $0x0  }
0x1d: {  	s5 =	simm.s32 @p1 $0x1;
	p0 =	seq.s32 s7, s2  }
0x1e: {  	s7 =	smul.u32 @!p0 $0xF7A, s2;
	p2 =	seq.s32 @!p0 s5, $0x0  }
0x1f: {  	s9 =	smul.u32 $0xF7A, s1;
	s8 =	simm.s32 @!p0 $0x1BF5;
	p2 =	por !p2, p0  }
0x20: {  	[sflag:s8] =	ssyncset.s32 @!p0 $0xFFFFF086;
	s6 =	sadd.s32 @!p0 s3, s7;
	s7 =	simm.s32 @!p0 $0x108  }
0x21: {  	s3 =	sadd.s32 s3, s9;
	s6 =	sadd.s32 @!p0 $0x88, s6;
	s7 =	simm.s32 @p2 $0x1082  }
0x22: {  	[simem:s7], [sflag:s8] =	dma.local @!p0 [hbm:s6], $0xF7A  }
0x23: {  	s9 =	sor.u32 $0xD0000000, s2;
	s6 =	simm.s32 $0x108;
	_ =	swait.ge @!p0 [sflag:s8], $0x0  }
0x24: {  	s3 =	sadd.s32 $0x88, s3;
	s6 =	simm.s32 @!p1 $0x1082;
	[sflag:s4] =	ssyncset.s32 $0xFFFFF086  }
0x25: {  	[simem:s6], [sflag:s4] =	dma.local [hbm:s3], $0xF7A  }
0x26: {  	[smem:$0x3F9F] =	sst s1;
	(tag) =	ssettag s2;
	_ =	strace s9  }
0x27: {  	s1 =	sld [smem:$0x3FAF]  }
0x28: {  	s2 =	sld [smem:$0x3FB0]  }
0x29: {  	s4 =	sld [smem:$0x3FB2]  }
0x2a: {  	p0 =	seq.s32 s5, $0x0;
	s5 =	sld [smem:$0x3FB3]  }
0x2b: {  	s6 =	sld [smem:$0x3FB4]  }
0x2c: {  	s7 =	sld [smem:$0x3FB5]  }
0x2d: {  	s3 =	simm.s32 $0x108;
	s8 =	sld [smem:$0x3FB6]  }
0x2e: {  	s3 =	simm.s32 @!p0 $0x1082;
	s9 =	sld [smem:$0x3FB7]  }
0x2f: {  	lr =	sadd.s32 s0, s3;
	s0 =	sld [smem:$0x3FAE]  }
0x30: {  	s3 =	sld [smem:$0x3FB1]  }
0x31: {  	[smem:$0x3FBA] =	sst s10  }
0x32: {  	s10 =	sld [smem:$0x3FB8];
	_ =	sdelay $0x3  }
0x33: {  	p0 =	seq.s32 s10, $0x1;
	s10 =	sld [smem:$0x3FBA];
	_ =	sdelay $0x3  }
0x34: {  	[smem:$0x3FBA] =	sst s10  }
0x35: {  	s10 =	sld [smem:$0x3FB9];
	_ =	sdelay $0x3  }
0x36: {  	p1 =	seq.s32 s10, $0x1;
	s10 =	sld [smem:$0x3FBA];
	_ =	sdelay $0x3  }
0x37: {  	[smem:$0x3FBA] =	sst s10  }
0x38: {  	s10 =	sld [smem:$0x3FBB]  }
0x39: {  	_ = 	snop;
	(pc) =	sbr.ind lr, $3  }
0x3a: {  	_ = 	snop  }
0x3b: {  	_ = 	snop  }
0x3c: {  	p2 =	seq.s32 s10, $0x1;
	s10 =	sld [smem:$0x3FBA]  }
0x3d: {  	_ =	shalt  }
0x3e: {  	_ =	shalt  }
0x3f: {  	_ =	shalt  }
0x40: {  	_ =	shalt  }
0x41: {  	_ =	shalt  }
0x42: {  	_ =	shalt  }
0x43: {  	_ =	shalt  }
0x44: {  	_ =	shalt  }
0x45: {  	_ =	shalt  }
0x46: {  	_ =	shalt  }
0x47: {  	_ =	shalt  }
0x48: {  	_ =	shalt  }
0x49: {  	_ =	shalt  }
0x4a: {  	_ =	shalt  }
0x4b: {  	_ =	shalt  }
0x4c: {  	_ =	shalt  }
0x4d: {  	_ =	shalt  }
0x4e: {  	_ =	shalt  }
0x4f: {  	_ =	shalt  }
0x50: {  	_ =	shalt  }
0x51: {  	_ =	shalt  }
0x52: {  	_ =	shalt  }
0x53: {  	_ =	shalt  }
0x54: {  	_ =	shalt  }
0x55: {  	_ =	shalt  }
0x56: {  	_ =	shalt  }
0x57: {  	_ =	shalt  }
0x58: {  	_ =	shalt  }
0x59: {  	_ =	shalt  }
0x5a: {  	_ =	shalt  }
0x5b: {  	_ =	shalt  }
0x5c: {  	_ =	shalt  }
0x5d: {  	_ =	shalt  }
0x5e: {  	_ =	shalt  }
0x5f: {  	_ =	shalt  }
0x60: {  	_ =	shalt  }
0x61: {  	_ =	shalt  }
0x62: {  	_ =	shalt  }
0x63: {  	_ =	shalt  }
0x64: {  	_ =	shalt  }
0x65: {  	_ =	shalt  }
0x66: {  	_ =	shalt  }
0x67: {  	_ =	shalt  }
0x68: {  	_ =	shalt  }
0x69: {  	_ =	shalt  }
0x6a: {  	_ =	shalt  }
0x6b: {  	_ =	shalt  }
0x6c: {  	_ =	shalt  }
0x6d: {  	_ =	shalt  }
0x6e: {  	_ =	shalt  }
0x6f: {  	_ =	shalt  }
0x70: {  	_ =	shalt  }
0x71: {  	_ =	shalt  }
0x72: {  	_ =	shalt  }
0x73: {  	_ =	shalt  }
0x74: {  	_ =	shalt  }
0x75: {  	_ =	shalt  }
0x76: {  	_ =	shalt  }
0x77: {  	_ =	shalt  }
0x78: {  	_ =	shalt  }
0x79: {  	_ =	shalt  }
0x7a: {  	_ =	shalt  }
0x7b: {  	_ =	shalt  }
0x7c: {  	_ =	shalt  }
0x7d: {  	_ =	shalt  }
0x7e: {  	_ =	shalt  }
0x7f: {  	_ =	shalt  }
0x80: {  	_ =	shalt  }
0x81: {  	_ =	shalt  }
0x82: {  	_ =	shalt  }
0x83: {  	_ =	shalt  }
0x84: {  	_ =	shalt  }
0x85: {  	_ =	shalt  }
0x86: {  	_ =	shalt  }
0x87: {  	_ =	shalt  }
.Lfunc_end0:
.L_simem_size_0:
called_computation_lowered:
.L_overlay_start_0:
0x88: {  	s2 =	sld [smem:$0x3FD9]  }
0x89: {  	s3 =	sld [smem:$0x3FFE];
	_ =	sdelay $0x1  }
0x8a: {  	s1 =	srdreg.scid  }
0x8b: {  	s0 =	sand.u32 $0x1, s1  }
0x8c: {  	s18 =	sshll.u32 s0, $0xA;
	s2 =	sadd.s32 s3, s2  }
0x8d: {  	s2 =	sadd.s32 s2, s18  }
0x8e: {  	[smem:$0x3FC6] =	sst s2  }
0x8f: {  	_ = 	snop  }
0x90: {  	s2 =	sld [smem:$0x3FC9]  }
0x91: {  	s19 =	sld [smem:$0x3FC8]  }
0x92: {  	s4 =	sld [smem:$0x3FD0];
	(tm) =	ssettm $0x1  }
0x93: {  	s5 =	sld [smem:$0x3FFB];
	_ =	sdelay $0x3  }
0x94: {  	_ =	strace s5  }
0x95: {  	s5 =	sld [smem:$0x3FFC];
	_ =	sdelay $0x3  }
0x96: {  	_ =	strace s5  }
0x97: {  	s5 =	sld [smem:$0x3FFD];
	_ =	sdelay $0x3  }
0x98: {  	_ =	strace s5  }
0x99: {  	_ =	strace $0x8FFFFFFF  }
0x9a: {  	s20 =	sld [smem:$0x3FDB];
	_ =	sdelay $0x1  }
0x9b: {  	s6 =	simm.s32 $_scs_section_size  }
0x9c: {  	s7 =	simm.s32 $_size__tile_overlayer_lowered;
	s8 =	simm.s32 $_tile_overlayer_lowered  }
0x9d: {  	s23 =	simm.s32 $0x1BFF;
	s22 =	sshll.u32 s8, $0x1;
	s5 =	sadd.s32 s6, s20  }
0x9e: {  	s9 =	simm.s32 $0x0;
	s21 =	sshll.u32 s7, $0x1;
	s7 =	sadd.s32 s22, s5  }
0x9f: {  	[timem:s9], [sflag:s23] =	dma.local [hbm:s7], s21  }
0xa0: {  	_ =	swait.ge [sflag:s23], s21  }
0xa1: {  	s6 =	ssub.s32 $0x0, s21;
	[sflag:s23] =	ssyncset.done $0x0  }
0xa2: {  	[sflag:s23] =	ssyncadd.s32 s6;
	_ =	sdelay $0x1  }
0xa3: {  	s24 =	simm.s32 $0x1B8B  }
0xa4: {  	_ =	swait.ge [sflag:s24], $0x1  }
0xa5: {  	[sflag:s24] =	ssyncset.done $0x0  }
0xa6: {  	s25 =	simm.s32 $0x1B8E;
	[sflag:s24] =	ssyncadd.s32 $0xFFFFFFFF  }
0xa7: {  	s26 =	simm.s32 $execute0_lowered;
	[smem:$0x3FD2] =	sst s25  }
0xa8: {  	s6 =	sshll.u32 s26, $0x1;
	_ =	strace $0x80000046;
	[dreg:$0x1] =	wrdreg $0xFFFFFFFF  }
0xa9: {  	s28 =	simm.s32 $_size_execute0_lowered;
	s5 =	sadd.s32 s5, s6;
	[dreg:$0x0] =	wrdreg $0x0  }
0xaa: {  	s6 =	sshll.u32 s28, $0x1;
	[dreg:$0x2] =	wrdreg s5  }
0xab: {  	[dreg:$0x3] =	wrdreg s6  }
0xac: {  	[dreg:$0x4] =	wrdreg $0xC0  }
0xad: {  	_ =	task [dreg:s9], $0x5FFFF  }
0xae: {  	[dreg:$0x1] =	wrdreg $0xFFFFFFFF  }
0xaf: {  	[dreg:$0x0] =	wrdreg $0x60  }
0xb0: {  	[dreg:$0x2] =	wrdreg s2  }
0xb1: {  	[dreg:$0x3] =	wrdreg s19  }
0xb2: {  	[dreg:$0x4] =	wrdreg s4  }
0xb3: {  	[dreg:$0x5] =	wrdreg $0x51000  }
0xb4: {  	[dreg:$0x6] =	wrdreg $0x53800  }
0xb5: {  	[dreg:$0x7] =	wrdreg $0x9  }
0xb6: {  	_ =	task.clear_ibuf [dreg:s9], $0x8FFFF;
	_ =	strace $0x90000046  }
0xb7: {  	s29 =	simm.s32 $0x9;
	_ =	strace $0x80000048  }
0xb8: {  	_ =	swait.ge [sflag:s29], $0x1  }
0xb9: {  	[sflag:s29] =	ssyncadd.s32 $0xFFFFFFFF  }
0xba: {  	_ =	strace $0x90000048  }
0xbb: {  	_ =	sfence  }
0xbc: {  	s30 =	sld [smem:$0x0];
	_ =	sdelay $0x2  }
0xbd: {  	s31 =	sshll.u32 s1, $0xD;
	s1 =	sshrl.u32 s1, $0x2  }
0xbe: {  	s3 =	sand.u32 $0x4000, s31;
	s1 =	sadd.s32 s1, s30  }
0xbf: {  	s0 =	sor.u32 s3, s0;
	s1 =	sshll.u32 s1, $0x11  }
0xc0: {  	s0 =	sor.u32 s1, s0  }
0xc1: {  	s0 =	sadd.s32 $0x8F2B, s0  }
0xc2: {  	[sflag:s0] =	ssyncadd.remote.s32 $0x1  }
0xc3: {  	_ =	sfence.sel $0xFFFF  }
0xc4: {  	[dreg:$0x0] =	wrdreg $0xFFFFFFFF;
	(pc) =	sbr.abs _section_cstart, $3  }
0xc5: {  	[dreg:$0x1] =	wrdreg $0xFFFFFFFF  }
0xc6: {  	_ =	task.clear_ibuf [dreg:s9], $0x2FFFF;
	_ =	strace $0x9FFFFFFF  }
0xc7: {  	(tm) =	ssettm $0x7FFFFFFF  }
tec
execute0_lowered:
.L_overlay_start_1:
0x0: {  	(tag) =	ssettag $0x1  }
0x1: {  	s4 =	rddreg [dreg:$0x0]  }
0x2: {  	s5 =	rddreg [dreg:$0x1]  }
0x3: {  	s6 =	rddreg [dreg:$0x2]  }
0x4: {  	s0 =	srdreg.scid;
	s1 =	rddreg [dreg:$0x3]  }
0x5: {  	s2 =	rddreg [dreg:$0x4];
	s14 =	stileid.u32;
	s11 =	simm.s32 $0x2800  }
0x6: {  	s12 =	simm.s32 $0x80;
	s13 =	simm.s32 $0x5000;
	s15 =	simm.s32 $0x20  }
0x7: {  	s16 =	simm.s32 $0x10;
	s17 =	simm.s32 $0x1C41;
	s19 =	simm.s32 $0x1C01  }
0x8: {  	s7 =	sand.u32 $0x1, s0;
	s0 =	rddreg [dreg:$0x5];
	p0 =	sne.s32 s14, $0x0  }
0x9: {  	p1 =	seq.s32 s14, $0x1;
	s18 =	sshrl.u32 s1, $0x3;
	s3 =	sshll.u32 s7, $0x4  }
0xa: {  	s9 =	ssub.s32 $0x2, s7;
	s7 =	smul.u32 $0xA00, s7;
	s8 =	sor.u32 s14, s3  }
.Ltmp0:
0xb: {  	s3 =	simm.s32 $0x0;
	s10 =	sshrl.u32 s9, $0x1;
	(pc) =	sbr.rel .LBB2_1-.Ltmp0, $4  }
0xc: {  	s14 =	sshrl.u32 s2, $0x3;
	s8 =	smul.u32 $0x500, s8;
	[smem:$0x7FF] =	sst s3  }
0xd: {  	s9 =	ssub.s32 s9, s10;
	s6 =	sadd.s32 s6, s7;
	s10 =	simm.s32 $0x1  }
0xe: {  	_ =	strace $0x80000047;
	s7 =	sadd.s32 $0x10, s6;
	s4 =	sadd.s32 s4, s8  }
0xf: {  	v0 =	vimm.f32 $0.0e+00;
	v1 =	vimm.f32 $1.000000000e+00;
	s5 =	sadd.s32 s5, s8;
	s8 =	smax.u32 s9, $0x1;
	s9 =	simm.s32 $0x5080  }
.LBB2_10:
0x10: {  	[hbm:s7@s15], [sflag:s17] =	dma.strided [spmem:s14@s16], $0x500, s10, $0x10   }
.LBB2_11:
0x11: {  	_ =	swait.ge [sflag:s10], $0x500  }
0x12: {  	[sflag:s10] =	ssyncset.done $0x0  }
0x13: {  	[sflag:s10] =	ssyncadd.s32 $0xFFFFFB00  }
.LBB2_12:
0x14: {  	s3 =	sadd.s32 $0x1, s3  }
0x15: {  	p2 =	sne.s32 s3, s8  }
.Ltmp1:
0x16: {  	_ = 	snop;
	(pc) =	sbr.rel @!p2 .LBB2_13-.Ltmp1, $1  }
0x17: {  	_ =	sdelay $0x3  }
.LBB2_1:
0x18: {  	[tilespmem:$0x5080] =	vst v0  }
0x19: {  	[tilespmem:$0x5090] =	vst v0  }
0x1a: {  	[tilespmem:$0x50A0] =	vst v0  }
.Ltmp2:
0x1b: {  	[tilespmem:$0x50B0] =	vst v0;
	(pc) =	sbr.rel @p0 .LBB2_5-.Ltmp2, $4  }
0x1c: {  	[tilespmem:$0x50C0] =	vst v0  }
0x1d: {  	[tilespmem:$0x50D0] =	vst v0  }
0x1e: {  	[tilespmem:$0x50E0] =	vst v0  }
0x1f: {  	[tilespmem:$0x50F0] =	vst v0  }
0x20: {  	s20 =	sadd.s32 $0x0, s1  }
0x21: {  	[spmem:s20] =	stream.linear.scatter [tilespmem:s9], [sflag:$0x1], $0x80, $0x38;
	[tilespmem:$0x5600] =	vst v63  }
0x22: {  	_ =	swait.ge [sflag:s10], $0x80  }
0x23: {  	[sflag:s10] =	ssyncset.done $0x0  }
0x24: {  	s31 =	sadd.s32 $0x0, s2;
	[sflag:s10] =	ssyncadd.s32 $0xFFFFFF80  }
0x25: {  	[spmem:s31] =	stream.linear.scatter [tilespmem:s9], [sflag:$0x1], $0x80, $0x38;
	[tilespmem:$0x5600] =	vst v63  }
0x26: {  	_ =	swait.ge [sflag:s10], $0x80  }
0x27: {  	s21 =	simm.s32 $0x400;
	s20 =	simm.s32 $0x80;
	[sflag:s10] =	ssyncset.done $0x0  }
.LBB2_3:
0x28: {  	s22 =	sadd.s32 s20, s1  }
0x29: {  	[sflag:s10] =	ssyncadd.s32 $0xFFFFFF80;
	s23 =	smov.u32 s21;
	s24 =	sadd.s32 $0x200, s21  }
0x2a: {  	[spmem:s22] =	stream.linear.scatter [tilespmem:s9], [sflag:$0x1], $0x80, $0x38;
	[tilespmem:$0x5600] =	vst v63  }
0x2b: {  	p2 =	sne.s32 s21, $0x9E00;
	_ =	swait.ge [sflag:s10], $0x80  }
.Ltmp3:
0x2c: {  	[sflag:s10] =	ssyncset.done $0x0;
	(pc) =	sbr.rel @p2 .LBB2_3-.Ltmp3, $4  }
0x2d: {  	s20 =	sadd.s32 s20, s2;
	[sflag:s10] =	ssyncadd.s32 $0xFFFFFF80  }
0x2e: {  	[spmem:s20] =	stream.linear.scatter [tilespmem:s9], [sflag:$0x1], $0x80, $0x38;
	[tilespmem:$0x5600] =	vst v63  }
0x2f: {  	_ =	swait.ge [sflag:s10], $0x80  }
0x30: {  	s21 =	smov.u32 s24;
	s20 =	sshra.s32 s23, $0x2;
	[sflag:s10] =	ssyncset.done $0x0  }
0x31: {  	s21 =	sadd.s32 s20, s1;
	[sflag:s10] =	ssyncadd.s32 $0xFFFFFF80  }
0x32: {  	[spmem:s21] =	stream.linear.scatter [tilespmem:s9], [sflag:$0x1], $0x80, $0x38;
	[tilespmem:$0x5600] =	vst v63  }
0x33: {  	_ =	swait.ge [sflag:s10], $0x80  }
0x34: {  	[sflag:s10] =	ssyncset.done $0x0  }
0x35: {  	s31 =	sadd.s32 s20, s2;
	[sflag:s10] =	ssyncadd.s32 $0xFFFFFF80  }
0x36: {  	[spmem:s31] =	stream.linear.scatter [tilespmem:s9], [sflag:$0x1], $0x80, $0x38;
	[tilespmem:$0x5600] =	vst v63  }
0x37: {  	_ =	swait.ge [sflag:s10], $0x80  }
0x38: {  	[sflag:s10] =	ssyncset.done $0x0  }
0x39: {  	[sflag:s10] =	ssyncadd.s32 $0xFFFFFF80  }
.LBB2_5:
0x3a: {  	s20 =	simm.s32 $0x0  }
0x3b: {  	[tilespmem:s20], [sflag:$0x1] =	stream.linear.gather [hbm4b:s4+s20], $0x2800, $0x38;
	[tilespmem:$0x5600] =	vst v63  }
0x3c: {  	_ =	swait.ge [sflag:s10], $0x2800  }
0x3d: {  	[sflag:s10] =	ssyncset.done $0x0  }
0x3e: {  	[sflag:s10] =	ssyncadd.s32 $0xFFFFD800  }
0x3f: {  	[tilespmem:s11], [sflag:$0x1] =	stream.linear.gather [hbm4b:s5+s20], $0x2800, $0x38;
	[tilespmem:$0x5600] =	vst v63  }
0x40: {  	_ =	swait.ge [sflag:s10], $0x2800  }
0x41: {  	[sflag:s10] =	ssyncset.done $0x0  }
0x42: {  	[sflag:s10] =	ssyncadd.s32 $0xFFFFD800  }
0x43: {  	s20 =	simm.s32 $0x0;
	[bflag:$0x0] =	sbarrier.arrive $0xFFFF  }
0x44: {  	v2 =	vld [tilespmem:s20+$0x0]  }
0x45: {  	v3 =	vld [tilespmem:s20+$0x2800];
	_ =	sdelay $0x4  }
0x46: {  	vm0 =	veq.s32 v2, v3  }
0x47: {  	v2 =	vsel vm0, $0x0, v1  }
0x48: {  	[tilespmem:$0x5000] =	vst v2  }
0x49: {  	v2 =	vld [tilespmem:s20+$0x10]  }
0x4a: {  	v3 =	vld [tilespmem:s20+$0x2810];
	_ =	sdelay $0x4  }
0x4b: {  	vm9 =	veq.s32 v2, v3  }
0x4c: {  	v2 =	vsel vm9, $0x0, v1  }
0x4d: {  	[tilespmem:$0x5010] =	vst v2  }
0x4e: {  	v2 =	vld [tilespmem:s20+$0x20]  }
0x4f: {  	v3 =	vld [tilespmem:s20+$0x2820];
	_ =	sdelay $0x4  }
0x50: {  	vm10 =	veq.s32 v2, v3  }
0x51: {  	v2 =	vsel vm10, $0x0, v1  }
0x52: {  	[tilespmem:$0x5020] =	vst v2  }
0x53: {  	v2 =	vld [tilespmem:s20+$0x30]  }
0x54: {  	v3 =	vld [tilespmem:s20+$0x2830];
	_ =	sdelay $0x4  }
0x55: {  	vm11 =	veq.s32 v2, v3  }
0x56: {  	v2 =	vsel vm11, $0x0, v1  }
0x57: {  	[tilespmem:$0x5030] =	vst v2  }
0x58: {  	v2 =	vld [tilespmem:s20+$0x40]  }
0x59: {  	v3 =	vld [tilespmem:s20+$0x2840];
	_ =	sdelay $0x4  }
0x5a: {  	vm12 =	veq.s32 v2, v3  }
0x5b: {  	v2 =	vsel vm12, $0x0, v1  }
0x5c: {  	[tilespmem:$0x5040] =	vst v2  }
0x5d: {  	v2 =	vld [tilespmem:s20+$0x50]  }
0x5e: {  	v3 =	vld [tilespmem:s20+$0x2850];
	_ =	sdelay $0x4  }
0x5f: {  	vm13 =	veq.s32 v2, v3  }
0x60: {  	v2 =	vsel vm13, $0x0, v1  }
0x61: {  	[tilespmem:$0x5050] =	vst v2  }
0x62: {  	v2 =	vld [tilespmem:s20+$0x60]  }
0x63: {  	v3 =	vld [tilespmem:s20+$0x2860];
	_ =	sdelay $0x4  }
0x64: {  	vm14 =	veq.s32 v2, v3  }
0x65: {  	v2 =	vsel vm14, $0x0, v1  }
0x66: {  	[tilespmem:$0x5060] =	vst v2  }
0x67: {  	v2 =	vld [tilespmem:s20+$0x70]  }
0x68: {  	v3 =	vld [tilespmem:s20+$0x2870];
	_ =	sdelay $0x4  }
0x69: {  	vm15 =	veq.s32 v2, v3  }
0x6a: {  	s21 =	simm.s32 $0x200;
	s22 =	simm.s32 $0x2800;
	v2 =	vsel vm15, $0x0, v1  }
.LBB2_6:
0x6b: {  	p2 =	sne.s32 s21, $0x9E00;
	[tilespmem:$0x5070] =	vst v2;
	s23 =	smov.u32 s21;
	s21 =	sadd.s32 $0x200, s21  }
0x6c: {  	[spmem:s1] =	stream.indirect.scatter.add.f32 [tilespmem:s13], [sflag:$0x1], $0x1, s20, s12, $0xb8;
	[tilespmem:$0x5600] =	vst v63  }
0x6d: {  	_ =	swait.ge [sflag:s10], $0x80  }
0x6e: {  	[sflag:s10] =	ssyncset.done $0x0  }
0x6f: {  	[sflag:s10] =	ssyncadd.s32 $0xFFFFFF80  }
0x70: {  	[spmem:s2] =	stream.indirect.scatter.add.f32 [tilespmem:s13], [sflag:$0x1], $0x1, s22, s12, $0xb8;
	[tilespmem:$0x5600] =	vst v63  }
0x71: {  	_ =	swait.ge [sflag:s10], $0x80  }
0x72: {  	[sflag:s10] =	ssyncset.done $0x0  }
0x73: {  	s20 =	sshra.s32 s23, $0x2;
	[sflag:s10] =	ssyncadd.s32 $0xFFFFFF80  }
0x74: {  	v2 =	vld [tilespmem:s20+$0x0]  }
0x75: {  	v3 =	vld [tilespmem:s20+$0x2800];
	_ =	sdelay $0x4  }
0x76: {  	vm0 =	veq.s32 v2, v3  }
0x77: {  	v2 =	vsel vm0, $0x0, v1  }
0x78: {  	[tilespmem:$0x5000] =	vst v2  }
0x79: {  	v2 =	vld [tilespmem:s20+$0x10]  }
0x7a: {  	v3 =	vld [tilespmem:s20+$0x2810];
	_ =	sdelay $0x4  }
0x7b: {  	vm0 =	veq.s32 v2, v3  }
0x7c: {  	v2 =	vsel vm0, $0x0, v1  }
0x7d: {  	[tilespmem:$0x5010] =	vst v2  }
0x7e: {  	v2 =	vld [tilespmem:s20+$0x20]  }
0x7f: {  	v3 =	vld [tilespmem:s20+$0x2820];
	_ =	sdelay $0x4  }
0x80: {  	vm0 =	veq.s32 v2, v3  }
0x81: {  	v2 =	vsel vm0, $0x0, v1  }
0x82: {  	[tilespmem:$0x5020] =	vst v2  }
0x83: {  	v2 =	vld [tilespmem:s20+$0x30]  }
0x84: {  	v3 =	vld [tilespmem:s20+$0x2830];
	_ =	sdelay $0x4  }
0x85: {  	vm0 =	veq.s32 v2, v3  }
0x86: {  	v2 =	vsel vm0, $0x0, v1  }
0x87: {  	[tilespmem:$0x5030] =	vst v2  }
0x88: {  	v2 =	vld [tilespmem:s20+$0x40]  }
0x89: {  	v3 =	vld [tilespmem:s20+$0x2840];
	_ =	sdelay $0x4  }
0x8a: {  	vm0 =	veq.s32 v2, v3  }
0x8b: {  	v2 =	vsel vm0, $0x0, v1  }
0x8c: {  	[tilespmem:$0x5040] =	vst v2  }
0x8d: {  	v2 =	vld [tilespmem:s20+$0x50]  }
0x8e: {  	v3 =	vld [tilespmem:s20+$0x2850];
	_ =	sdelay $0x4  }
0x8f: {  	vm0 =	veq.s32 v2, v3  }
0x90: {  	v2 =	vsel vm0, $0x0, v1  }
0x91: {  	[tilespmem:$0x5050] =	vst v2  }
0x92: {  	v2 =	vld [tilespmem:s20+$0x60]  }
0x93: {  	v3 =	vld [tilespmem:s20+$0x2860];
	_ =	sdelay $0x4  }
0x94: {  	vm0 =	veq.s32 v2, v3  }
0x95: {  	v2 =	vsel vm0, $0x0, v1  }
0x96: {  	[tilespmem:$0x5060] =	vst v2  }
0x97: {  	v2 =	vld [tilespmem:s20+$0x70]  }
0x98: {  	v3 =	vld [tilespmem:s20+$0x2870];
	_ =	sdelay $0x1  }
.Ltmp4:
0x99: {  	(pc) =	sbr.rel @p2 .LBB2_6-.Ltmp4, $3  }
0x9a: {  	s22 =	sadd.s32 $0x2800, s20;
	_ =	sdelay $0x1  }
0x9b: {  	vm0 =	veq.s32 v2, v3  }
0x9c: {  	v2 =	vsel vm0, $0x0, v1  }
0x9d: {  	[tilespmem:$0x5070] =	vst v2  }
0x9e: {  	[spmem:s1] =	stream.indirect.scatter.add.f32 [tilespmem:s13], [sflag:$0x1], $0x1, s20, s12, $0xb8;
	[tilespmem:$0x5600] =	vst v63  }
0x9f: {  	_ =	swait.ge [sflag:s10], $0x80  }
0xa0: {  	[sflag:s10] =	ssyncset.done $0x0  }
0xa1: {  	[sflag:s10] =	ssyncadd.s32 $0xFFFFFF80  }
0xa2: {  	[spmem:s2] =	stream.indirect.scatter.add.f32 [tilespmem:s13], [sflag:$0x1], $0x1, s22, s12, $0xb8;
	[tilespmem:$0x5600] =	vst v63  }
.Ltmp5:
0xa3: {  	_ =	swait.ge [sflag:s10], $0x80;
	(pc) =	sbr.rel @p1 .LBB2_10-.Ltmp5, $3  }
0xa4: {  	[sflag:s10] =	ssyncset.done $0x0  }
0xa5: {  	[sflag:s10] =	ssyncadd.s32 $0xFFFFFF80  }
0xa6: {  	[bflag:$0x0] =	sbarrier.arrive $0xFFFF;
	_ =	sdelay $0x1  }
.Ltmp6:
0xa7: {  	(pc) =	sbr.rel @p0 .LBB2_12-.Ltmp6, $1  }
0xa8: {  	_ =	sdelay $0x3  }
.Ltmp7:
0xa9: {  	(pc) =	sbr.rel .LBB2_11-.Ltmp7, $2  }
0xaa: {  	_ =	sdelay $0x2  }
0xab: {  	[hbm:s6@s15], [sflag:s19] =	dma.strided [spmem:s18@s16], $0x500, s10, $0x10   }
.LBB2_13:
0xac: {  	_ =	sfence.sel $0x180000  }
0xad: {  	[bflag:$0x0] =	sbarrier.arrive $0xFFFF  }
0xae: {  	_ =	strace $0x90000047  }
0xaf: {  	s0 =	sadd.s32 @!p0 $0x100000, s0;
	[bflag:$0x2] =	sbarrier.arrive $0xFFFF  }
0xb0: {  	[sflag:s0] =	ssyncadd.tile.s32 @!p0 $0x1;
	_ =	shalt  }
.Lfunc_end2:
_tile_overlayer_lowered:
.L_overlay_start_2:
0xb1: {  	(tag) =	ssettag $0x2  }
0xb2: {  	s0 =	rddreg [dreg:$0x0];
	s2 =	stileid.u32  }
0xb3: {  	s1 =	rddreg [dreg:$0x1];
	p0 =	sne.s32 s2, $0x0  }
0xb4: {  	s3 =	rddreg [dreg:$0x2];
	[bflag:$0x3] =	sbarrier.arrive $0xFFFF;
	s2 =	simm.s32 @!p0 $0x1C01  }
0xb5: {  	[timem:s3], [sflag:s2] =	dma.local @!p0 [hbm:s0], s1  }
0xb6: {  	s0 =	simm.s32 @!p0 $0x1  }
0xb7: {  	_ =	swait.ge @!p0 [sflag:s0], s1  }
0xb8: {  	s1 =	ssub.s32 @!p0 $0x0, s1;
	[sflag:s0] =	ssyncset.done @!p0 $0x0  }
0xb9: {  	[sflag:s0] =	ssyncadd.s32 @!p0 s1  }
0xba: {  	[bflag:$0x3] =	sbarrier.arrive $0xFFFF  }
0xbb: {  	_ =	shalt  }

</sc_bundles>
